<compile_context>
chip_gen: v7x
topology: tpu7x:2x2x1
jax: 0.10.2.dev20260603
libtpu: 0.0.44.dev20260713+nightly
codegen_flags: <defaults>
</compile_context>

<pallas_src>
import dataclasses
import functools

import jax
import jax.numpy as jnp
from jax import lax
from jax.experimental import pallas as pl
from jax.experimental.pallas import tpu as pltpu
from jax.experimental.pallas import tpu_sc as plsc

_NC = 2
_NS = 16
_LANES = 16

_CHUNK = 128
_ROW_BLK = 1000



def _dense_body(x_ref, st_ref, a0_ref, w1_ref, b1_ref, wc_ref, bc_ref, h_ref):
    xb = x_ref[...]
    h = xb + st_ref[...] * a0_ref[0, 0]
    t = lax.dot_general(h, w1_ref[...], (((1,), (1,)), ((), ())),
                        preferred_element_type=jnp.float32,
                        precision=lax.Precision.HIGHEST)
    t = t + b1_ref[...]
    t = jnp.where(t >= 0, t, 0.2 * t)
    o = lax.dot_general(t, wc_ref[...], (((1,), (1,)), ((), ())),
                        preferred_element_type=jnp.float32,
                        precision=lax.Precision.HIGHEST)
    h_ref[...] = o + bc_ref[...]


def _dense(x, states2d, a0, W1, b1r, Wc, bcr):
    n, d = x.shape
    grid = n // _ROW_BLK
    return pl.pallas_call(
        _dense_body,
        grid=(grid,),
        in_specs=[
            pl.BlockSpec((_ROW_BLK, d), lambda i: (i, 0)),
            pl.BlockSpec((_ROW_BLK, 1), lambda i: (i, 0)),
            pl.BlockSpec((1, 1), lambda i: (0, 0)),
            pl.BlockSpec((d, d), lambda i: (0, 0)),
            pl.BlockSpec((1, d), lambda i: (0, 0)),
            pl.BlockSpec((d, d), lambda i: (0, 0)),
            pl.BlockSpec((1, d), lambda i: (0, 0)),
        ],
        out_specs=pl.BlockSpec((_ROW_BLK, d), lambda i: (i, 0)),
        out_shape=jax.ShapeDtypeStruct((n, d), jnp.float32),
    )(x, states2d, a0, W1, b1r, Wc, bcr)



def _make_sc_edge_kernel(n_pad, e, d):
    total_chunks = e // _CHUNK
    nw = _NC * _NS
    t_max = (total_chunks + nw - 1) // nw
    rows_per_sub = n_pad // _NS
    mesh = plsc.VectorSubcoreMesh(core_axis_name="c", subcore_axis_name="s")
    cp = pltpu.CompilerParams()
    if "needs_layout_passes" in pltpu.CompilerParams.__dataclass_fields__:
        cp = dataclasses.replace(cp, needs_layout_passes=False)

    @functools.partial(
        pl.kernel,
        out_type=jax.ShapeDtypeStruct((_NC, n_pad, d), jnp.float32),
        mesh=mesh,
        scratch_types=[
            pltpu.VMEM((_CHUNK,), jnp.int32),
            pltpu.VMEM((_CHUNK,), jnp.int32),
            pltpu.VMEM((_CHUNK,), jnp.float32),
            pltpu.VMEM((_CHUNK, d), jnp.float32),
            pltpu.VMEM_SHARED((n_pad, d), jnp.float32),
            pltpu.SemaphoreType.DMA,
        ],
        compiler_params=cp,
    )
    def sc_kernel(h_hbm, src_hbm, dst_hbm, w_hbm, zeros_hbm, out_hbm,
                  src_v, dst_v, w_v, rows_v, acc, sem):
        c = lax.axis_index("c")
        s = lax.axis_index("s")
        wid = s * _NC + c

        pltpu.sync_copy(zeros_hbm.at[pl.ds(s * rows_per_sub, rows_per_sub)],
                        acc.at[pl.ds(s * rows_per_sub, rows_per_sub)])
        plsc.subcore_barrier()

        @pl.loop(0, t_max)
        def _chunk_loop(t):
            cid = wid + t * nw

            @pl.when(cid < total_chunks)
            def _():
                base = cid * _CHUNK
                pltpu.sync_copy(src_hbm.at[pl.ds(base, _CHUNK)], src_v)
                pltpu.sync_copy(dst_hbm.at[pl.ds(base, _CHUNK)], dst_v)
                pltpu.sync_copy(w_hbm.at[pl.ds(base, _CHUNK)], w_v)
                pltpu.async_copy(h_hbm.at[src_v], rows_v, sem).wait()

                @pl.loop(0, _CHUNK)
                def _scale(ei):
                    idx = jnp.broadcast_to(ei, (_LANES,)).astype(jnp.int32)
                    wsplat = plsc.load_gather(w_v, [idx])
                    for seg in range(d // _LANES):
                        sl = pl.ds(seg * _LANES, _LANES)
                        rows_v[ei, sl] = rows_v[ei, sl] * wsplat

                pltpu.sync_copy(rows_v, acc.at[dst_v], add=True)

        plsc.subcore_barrier()
        pltpu.sync_copy(acc.at[pl.ds(s * rows_per_sub, rows_per_sub)],
                        out_hbm.at[c, pl.ds(s * rows_per_sub, rows_per_sub)])

    return sc_kernel



def _combine_body(a_ref, b_ref, o_ref):
    o_ref[...] = a_ref[0] + b_ref[0]


def _combine(partial, n, d):
    grid = n // _ROW_BLK
    return pl.pallas_call(
        _combine_body,
        grid=(grid,),
        in_specs=[
            pl.BlockSpec((1, _ROW_BLK, d), lambda i: (0, i, 0)),
            pl.BlockSpec((1, _ROW_BLK, d), lambda i: (1, i, 0)),
        ],
        out_specs=pl.BlockSpec((_ROW_BLK, d), lambda i: (i, 0)),
        out_shape=jax.ShapeDtypeStruct((n, d), jnp.float32),
    )(partial, partial)



def kernel(x, edge_index, edge_weights, states, a0, W1, b1, Wc, bc):
    n, d = x.shape
    e = edge_weights.shape[0]
    n_pad = ((n + 8 * _NS - 1) // (8 * _NS)) * (8 * _NS)
    assert e % _CHUNK == 0 and n % _ROW_BLK == 0

    h = _dense(x, states[:, None], a0, W1, b1[None, :], Wc, bc[None, :])

    src = edge_index[0]
    dst = edge_index[1]
    zeros = jnp.zeros((n_pad, d), jnp.float32)
    sc_kernel = _make_sc_edge_kernel(n_pad, e, d)
    partial = sc_kernel(h, src, dst, edge_weights, zeros)

    return _combine(partial, n, d)

# --- scband reference (transcript-rebuilt; emitter-appended) ---
"""Pipeline reference for scband-qvalue-net-block-35699768164382 (READ-ONLY COPY).

The authoritative reference and input builder live on the scoring server;
editing this copy changes nothing except your own understanding.
"""

import jax, jax.numpy as jnp
import numpy as np

N, E, D = 10000, 320000, 128

def setup_inputs(seed: int = 0):
    key = jax.random.key(seed)
    ks = jax.random.split(key, 9)
    x = jax.random.normal(ks[0], (N, D), dtype=jnp.float32)
    edge_index = jax.random.randint(ks[1], (2, E), 0, N, dtype=jnp.int32)
    edge_weights = jax.random.uniform(ks[2], (E,), dtype=jnp.float32)
    states = jax.random.normal(ks[3], (N,), dtype=jnp.float32)
    s = 1.0 / np.sqrt(D)
    a0 = jax.random.uniform(ks[4], (1, 1), minval=-1.0, maxval=1.0, dtype=jnp.float32)
    W1 = jax.random.uniform(ks[5], (D, D), minval=-s, maxval=s, dtype=jnp.float32)
    b1 = jax.random.uniform(ks[6], (D,), minval=-s, maxval=s, dtype=jnp.float32)
    Wc = jax.random.uniform(ks[7], (D, D), minval=-s, maxval=s, dtype=jnp.float32)
    bc = jax.random.uniform(ks[8], (D,), minval=-s, maxval=s, dtype=jnp.float32)
    return {"x": x, "edge_index": edge_index, "edge_weights": edge_weights, "states": states,
            "a0": a0, "W1": W1, "b1": b1, "Wc": Wc, "bc": bc}

def reference(x, edge_index, edge_weights, states, a0, W1, b1, Wc, bc):
    # alpha0: Linear(1,1,bias=False) applied to states.view(-1,1)
    h = x + states[:, None] * a0[0, 0]
    # alpha1: Linear(D,D) with bias
    h = h @ W1.T + b1
    # leaky_relu with negative slope 0.2
    h = jnp.where(h >= 0, h, 0.2 * h)
    # CustomGCNConv: lin then propagate with aggr='add'
    h = h @ Wc.T + bc
    src = edge_index[0]
    dst = edge_index[1]
    msgs = edge_weights[:, None] * h[src]
    out = jax.ops.segment_sum(msgs, dst, num_segments=N)
    return out

if __name__ == "__main__":
    import jax
    _d = setup_inputs()
    print(jax.jit(kernel)(*tuple(_d.values())))

</pallas_src>

<mosaic_0001>
#map = affine_map<(d0, d1) -> (0, 0)>
#map1 = affine_map<(d0, d1) -> (0)>
#map2 = affine_map<(d0, d1) -> (0, 0, 0)>
module attributes {stable_mosaic.version = 14 : i64} {
  func.func @sc_kernel(%arg0: i32, %arg1: i32, %arg2: memref<10000x128xf32, #tpu.memory_space<hbm>>, %arg3: memref<320000xi32, #tpu.memory_space<hbm>>, %arg4: memref<320000xi32, #tpu.memory_space<hbm>>, %arg5: memref<320000xf32, #tpu.memory_space<hbm>>, %arg6: memref<10112x128xf32, #tpu.memory_space<hbm>>, %arg7: memref<2x10112x128xf32, #tpu.memory_space<hbm>>, %arg8: memref<128xi32, #tpu.memory_space<vmem>>, %arg9: memref<128xi32, #tpu.memory_space<vmem>>, %arg10: memref<128xf32, #tpu.memory_space<vmem>>, %arg11: memref<128x128xf32, #tpu.memory_space<vmem>>, %arg12: memref<10112x128xf32, #tpu.memory_space<vmem_shared>>, %arg13: memref<!tpu.dma_semaphore, #tpu.memory_space<semaphore_mem>>) attributes {dimension_semantics = [#tpu.dimension_semantics<core_parallel>, #tpu.dimension_semantics<subcore_parallel>], iteration_bounds = array<i64: 2, 16>, scalar_prefetch = 0 : i64, scratch_operands = 6 : i64, tpu.core_type = #tpu.core_type<sc_vector_subcore>, window_params = [{transform_indices = #map}, {transform_indices = #map1}, {transform_indices = #map1}, {transform_indices = #map1}, {transform_indices = #map}, {transform_indices = #map2}]} {
    %mul3A = arith.constant 2 : i32
    %mul3A_0 = arith.muli %arg1, %mul3A : i32
    %add3A = arith.addi %mul3A_0, %arg0 : i32
    %mul3A_1 = arith.constant 632 : i32
    %mul3A_2 = arith.muli %arg1, %mul3A_1 : i32
    %mul3A_3 = arith.constant 632 : i32
    %mul3A_4 = arith.muli %arg1, %mul3A_3 : i32
    "tpu.region"() ({
      %run_scoped3A = tpu.sem_alloc : memref<!tpu.dma_semaphore, #tpu.memory_space<semaphore_mem>>
      %dma_start3A = arith.constant 0 : i32
      %dma_start3A_14 = tpu.memref_slice %arg12[%mul3A_4, %dma_start3A] : memref<10112x128xf32, #tpu.memory_space<vmem_shared>> -> memref<632x128xf32, #tpu.memory_space<vmem_shared>>
      %dma_start3A_15 = arith.constant 0 : i32
      %dma_start3A_16 = tpu.memref_slice %arg6[%mul3A_2, %dma_start3A_15] : memref<10112x128xf32, #tpu.memory_space<hbm>> -> memref<632x128xf32, #tpu.memory_space<hbm>>
      tpu.enqueue_dma source(%dma_start3A_16 : memref<632x128xf32, #tpu.memory_space<hbm>>) target(%dma_start3A_14 : memref<632x128xf32, #tpu.memory_space<vmem_shared>>) target_semaphore(%run_scoped3A : memref<!tpu.dma_semaphore, #tpu.memory_space<semaphore_mem>>)
      %dma_wait3A = arith.constant 0 : i32
      %dma_wait3A_17 = tpu.memref_slice %arg12[%mul3A_4, %dma_wait3A] : memref<10112x128xf32, #tpu.memory_space<vmem_shared>> -> memref<632x128xf32, #tpu.memory_space<vmem_shared>>
      %dma_wait3A_18 = arith.constant 0 : i32
      %dma_wait3A_19 = tpu.memref_slice %arg6[%mul3A_2, %dma_wait3A_18] : memref<10112x128xf32, #tpu.memory_space<hbm>> -> memref<632x128xf32, #tpu.memory_space<hbm>>
      tpu.wait_dma2 semaphore(%run_scoped3A : memref<!tpu.dma_semaphore, #tpu.memory_space<semaphore_mem>>) src(%dma_wait3A_19 : memref<632x128xf32, #tpu.memory_space<hbm>>) dst(%dma_wait3A_17 : memref<632x128xf32, #tpu.memory_space<vmem_shared>>)
      tpu.yield
    }) : () -> ()
    %barrier3A = arith.constant 0 : index
    tpu.barrier barrier_id(%barrier3A)
    %scan3A = arith.constant 0 : i32
    %scan3A_5 = arith.constant 79 : i32
    %scan3A_6 = arith.addi %scan3A, %scan3A_5 : i32
    %scan3A_7 = arith.constant 1 : i32
    scf.for %scan3A_14 = %scan3A to %scan3A_6 step %scan3A_7  : i32 {
      %mul3A_15 = arith.constant 1 : i32
      %mul3A_16 = arith.muli %scan3A_14, %mul3A_15 : i32
      %add3A_17 = arith.constant 0 : i32
      %add3A_18 = arith.addi %add3A_17, %mul3A_16 : i32
      %mul3A_19 = arith.constant 32 : i32
      %mul3A_20 = arith.muli %add3A_18, %mul3A_19 : i32
      %add3A_21 = arith.addi %add3A, %mul3A_20 : i32
      %lt3A = arith.constant 2500 : i32
      %lt3A_22 = arith.cmpi slt, %add3A_21, %lt3A : i32
      %convert_element_type3A = arith.extui %lt3A_22 : i1 to i32
      %cond3A = arith.constant 0 : i32
      %cond3A_23 = arith.cmpi ne, %convert_element_type3A, %cond3A : i32
      scf.if %cond3A_23 {
        %mul3A_24 = arith.constant 128 : i32
        %mul3A_25 = arith.muli %add3A_21, %mul3A_24 : i32
        "tpu.region"() ({
          %run_scoped3A = tpu.sem_alloc : memref<!tpu.dma_semaphore, #tpu.memory_space<semaphore_mem>>
          %dma_start3A_35 = tpu.memref_slice %arg3[%mul3A_25] : memref<320000xi32, #tpu.memory_space<hbm>> -> memref<128xi32, #tpu.memory_space<hbm>>
          %dma_start3A_36 = tpu.memref_slice %arg3[%mul3A_25] : memref<320000xi32, #tpu.memory_space<hbm>> -> memref<128xi32, #tpu.memory_space<hbm>>
          tpu.enqueue_dma source(%dma_start3A_36 : memref<128xi32, #tpu.memory_space<hbm>>) target(%arg8 : memref<128xi32, #tpu.memory_space<vmem>>) target_semaphore(%run_scoped3A : memref<!tpu.dma_semaphore, #tpu.memory_space<semaphore_mem>>)
          %dma_wait3A_37 = tpu.memref_slice %arg3[%mul3A_25] : memref<320000xi32, #tpu.memory_space<hbm>> -> memref<128xi32, #tpu.memory_space<hbm>>
          %dma_wait3A_38 = tpu.memref_slice %arg3[%mul3A_25] : memref<320000xi32, #tpu.memory_space<hbm>> -> memref<128xi32, #tpu.memory_space<hbm>>
          tpu.wait_dma2 semaphore(%run_scoped3A : memref<!tpu.dma_semaphore, #tpu.memory_space<semaphore_mem>>) src(%dma_wait3A_38 : memref<128xi32, #tpu.memory_space<hbm>>) dst(%arg8 : memref<128xi32, #tpu.memory_space<vmem>>)
          tpu.yield
        }) : () -> ()
        "tpu.region"() ({
          %run_scoped3A = tpu.sem_alloc : memref<!tpu.dma_semaphore, #tpu.memory_space<semaphore_mem>>
          %dma_start3A_35 = tpu.memref_slice %arg4[%mul3A_25] : memref<320000xi32, #tpu.memory_space<hbm>> -> memref<128xi32, #tpu.memory_space<hbm>>
          %dma_start3A_36 = tpu.memref_slice %arg4[%mul3A_25] : memref<320000xi32, #tpu.memory_space<hbm>> -> memref<128xi32, #tpu.memory_space<hbm>>
          tpu.enqueue_dma source(%dma_start3A_36 : memref<128xi32, #tpu.memory_space<hbm>>) target(%arg9 : memref<128xi32, #tpu.memory_space<vmem>>) target_semaphore(%run_scoped3A : memref<!tpu.dma_semaphore, #tpu.memory_space<semaphore_mem>>)
          %dma_wait3A_37 = tpu.memref_slice %arg4[%mul3A_25] : memref<320000xi32, #tpu.memory_space<hbm>> -> memref<128xi32, #tpu.memory_space<hbm>>
          %dma_wait3A_38 = tpu.memref_slice %arg4[%mul3A_25] : memref<320000xi32, #tpu.memory_space<hbm>> -> memref<128xi32, #tpu.memory_space<hbm>>
          tpu.wait_dma2 semaphore(%run_scoped3A : memref<!tpu.dma_semaphore, #tpu.memory_space<semaphore_mem>>) src(%dma_wait3A_38 : memref<128xi32, #tpu.memory_space<hbm>>) dst(%arg9 : memref<128xi32, #tpu.memory_space<vmem>>)
          tpu.yield
        }) : () -> ()
        "tpu.region"() ({
          %run_scoped3A = tpu.sem_alloc : memref<!tpu.dma_semaphore, #tpu.memory_space<semaphore_mem>>
          %dma_start3A_35 = tpu.memref_slice %arg5[%mul3A_25] : memref<320000xf32, #tpu.memory_space<hbm>> -> memref<128xf32, #tpu.memory_space<hbm>>
          %dma_start3A_36 = tpu.memref_slice %arg5[%mul3A_25] : memref<320000xf32, #tpu.memory_space<hbm>> -> memref<128xf32, #tpu.memory_space<hbm>>
          tpu.enqueue_dma source(%dma_start3A_36 : memref<128xf32, #tpu.memory_space<hbm>>) target(%arg10 : memref<128xf32, #tpu.memory_space<vmem>>) target_semaphore(%run_scoped3A : memref<!tpu.dma_semaphore, #tpu.memory_space<semaphore_mem>>)
          %dma_wait3A_37 = tpu.memref_slice %arg5[%mul3A_25] : memref<320000xf32, #tpu.memory_space<hbm>> -> memref<128xf32, #tpu.memory_space<hbm>>
          %dma_wait3A_38 = tpu.memref_slice %arg5[%mul3A_25] : memref<320000xf32, #tpu.memory_space<hbm>> -> memref<128xf32, #tpu.memory_space<hbm>>
          tpu.wait_dma2 semaphore(%run_scoped3A : memref<!tpu.dma_semaphore, #tpu.memory_space<semaphore_mem>>) src(%dma_wait3A_38 : memref<128xf32, #tpu.memory_space<hbm>>) dst(%arg10 : memref<128xf32, #tpu.memory_space<vmem>>)
          tpu.yield
        }) : () -> ()
        %dma_start3A = arith.constant 0 : i32
        %dma_start3A_26 = arith.constant 0 : i32
        %dma_start3A_27 = tpu.memref_slice %arg2[%dma_start3A, %dma_start3A_26] : memref<10000x128xf32, #tpu.memory_space<hbm>> -> memref<10000x128xf32, #tpu.memory_space<hbm>>
        tpu.enqueue_indirect_dma source(%dma_start3A_27 : memref<10000x128xf32, #tpu.memory_space<hbm>>) target(%arg11 : memref<128x128xf32, #tpu.memory_space<vmem>>) offsets(%arg8 : memref<128xi32, #tpu.memory_space<vmem>>) semaphore(%arg13 : memref<!tpu.dma_semaphore, #tpu.memory_space<semaphore_mem>>)
        %dma_wait3A = arith.constant 0 : i32
        %dma_wait3A_28 = arith.constant 0 : i32
        %dma_wait3A_29 = tpu.memref_slice %arg2[%dma_wait3A, %dma_wait3A_28] : memref<10000x128xf32, #tpu.memory_space<hbm>> -> memref<10000x128xf32, #tpu.memory_space<hbm>>
        tpu.wait_indirect_dma semaphore(%arg13 : memref<!tpu.dma_semaphore, #tpu.memory_space<semaphore_mem>>) src(%dma_wait3A_29 : memref<10000x128xf32, #tpu.memory_space<hbm>>) dst(%arg11 : memref<128x128xf32, #tpu.memory_space<vmem>>)
        %scan3A_30 = arith.constant 0 : i32
        %scan3A_31 = arith.constant 128 : i32
        %scan3A_32 = arith.addi %scan3A_30, %scan3A_31 : i32
        %scan3A_33 = arith.constant 1 : i32
        scf.for %scan3A_35 = %scan3A_30 to %scan3A_32 step %scan3A_33  : i32 {
          %mul3A_36 = arith.constant 1 : i32
          %mul3A_37 = arith.muli %scan3A_35, %mul3A_36 : i32
          %add3A_38 = arith.constant 0 : i32
          %add3A_39 = arith.addi %add3A_38, %mul3A_37 : i32
          %broadcast_in_dim3A = vector.broadcast %add3A_39 : i32 to vector<16xi32>
          %gather3A = tpu.vector_load_idx %arg10[%broadcast_in_dim3A] : memref<128xf32, #tpu.memory_space<vmem>>[vector<16xi32>], vector<16xf32>,
          %get3A = arith.index_cast %add3A_39 : i32 to index
          %get3A_40 = arith.constant 0 : index
          %get3A_41 = tpu.vector_load %arg11[%get3A, %get3A_40] {strides = array<i32>} : memref<128x128xf32, #tpu.memory_space<vmem>>, vector<16xf32>,
          %mul3A_42 = arith.mulf %get3A_41, %gather3A : vector<16xf32>
          %swap3A = arith.index_cast %add3A_39 : i32 to index
          %swap3A_43 = arith.constant 0 : index
          %swap3A_44 = tpu.vector_load %arg11[%swap3A, %swap3A_43] {strides = array<i32>} : memref<128x128xf32, #tpu.memory_space<vmem>>, vector<16xf32>,
          tpu.vector_store %arg11[%swap3A, %swap3A_43], %mul3A_42 {strides = array<i32>} : memref<128x128xf32, #tpu.memory_space<vmem>>, vector<16xf32>,
          %get3A_45 = arith.index_cast %add3A_39 : i32 to index
          %get3A_46 = arith.constant 16 : index
          %get3A_47 = tpu.vector_load %arg11[%get3A_45, %get3A_46] {strides = array<i32>} : memref<128x128xf32, #tpu.memory_space<vmem>>, vector<16xf32>,
          %mul3A_48 = arith.mulf %get3A_47, %gather3A : vector<16xf32>
          %swap3A_49 = arith.index_cast %add3A_39 : i32 to index
          %swap3A_50 = arith.constant 16 : index
          %swap3A_51 = tpu.vector_load %arg11[%swap3A_49, %swap3A_50] {strides = array<i32>} : memref<128x128xf32, #tpu.memory_space<vmem>>, vector<16xf32>,
          tpu.vector_store %arg11[%swap3A_49, %swap3A_50], %mul3A_48 {strides = array<i32>} : memref<128x128xf32, #tpu.memory_space<vmem>>, vector<16xf32>,
          %get3A_52 = arith.index_cast %add3A_39 : i32 to index
          %get3A_53 = arith.constant 32 : index
          %get3A_54 = tpu.vector_load %arg11[%get3A_52, %get3A_53] {strides = array<i32>} : memref<128x128xf32, #tpu.memory_space<vmem>>, vector<16xf32>,
          %mul3A_55 = arith.mulf %get3A_54, %gather3A : vector<16xf32>
          %swap3A_56 = arith.index_cast %add3A_39 : i32 to index
          %swap3A_57 = arith.constant 32 : index
          %swap3A_58 = tpu.vector_load %arg11[%swap3A_56, %swap3A_57] {strides = array<i32>} : memref<128x128xf32, #tpu.memory_space<vmem>>, vector<16xf32>,
          tpu.vector_store %arg11[%swap3A_56, %swap3A_57], %mul3A_55 {strides = array<i32>} : memref<128x128xf32, #tpu.memory_space<vmem>>, vector<16xf32>,
          %get3A_59 = arith.index_cast %add3A_39 : i32 to index
          %get3A_60 = arith.constant 48 : index
          %get3A_61 = tpu.vector_load %arg11[%get3A_59, %get3A_60] {strides = array<i32>} : memref<128x128xf32, #tpu.memory_space<vmem>>, vector<16xf32>,
          %mul3A_62 = arith.mulf %get3A_61, %gather3A : vector<16xf32>
          %swap3A_63 = arith.index_cast %add3A_39 : i32 to index
          %swap3A_64 = arith.constant 48 : index
          %swap3A_65 = tpu.vector_load %arg11[%swap3A_63, %swap3A_64] {strides = array<i32>} : memref<128x128xf32, #tpu.memory_space<vmem>>, vector<16xf32>,
          tpu.vector_store %arg11[%swap3A_63, %swap3A_64], %mul3A_62 {strides = array<i32>} : memref<128x128xf32, #tpu.memory_space<vmem>>, vector<16xf32>,
          %get3A_66 = arith.index_cast %add3A_39 : i32 to index
          %get3A_67 = arith.constant 64 : index
          %get3A_68 = tpu.vector_load %arg11[%get3A_66, %get3A_67] {strides = array<i32>} : memref<128x128xf32, #tpu.memory_space<vmem>>, vector<16xf32>,
          %mul3A_69 = arith.mulf %get3A_68, %gather3A : vector<16xf32>
          %swap3A_70 = arith.index_cast %add3A_39 : i32 to index
          %swap3A_71 = arith.constant 64 : index
          %swap3A_72 = tpu.vector_load %arg11[%swap3A_70, %swap3A_71] {strides = array<i32>} : memref<128x128xf32, #tpu.memory_space<vmem>>, vector<16xf32>,
          tpu.vector_store %arg11[%swap3A_70, %swap3A_71], %mul3A_69 {strides = array<i32>} : memref<128x128xf32, #tpu.memory_space<vmem>>, vector<16xf32>,
          %get3A_73 = arith.index_cast %add3A_39 : i32 to index
          %get3A_74 = arith.constant 80 : index
          %get3A_75 = tpu.vector_load %arg11[%get3A_73, %get3A_74] {strides = array<i32>} : memref<128x128xf32, #tpu.memory_space<vmem>>, vector<16xf32>,
          %mul3A_76 = arith.mulf %get3A_75, %gather3A : vector<16xf32>
          %swap3A_77 = arith.index_cast %add3A_39 : i32 to index
          %swap3A_78 = arith.constant 80 : index
          %swap3A_79 = tpu.vector_load %arg11[%swap3A_77, %swap3A_78] {strides = array<i32>} : memref<128x128xf32, #tpu.memory_space<vmem>>, vector<16xf32>,
          tpu.vector_store %arg11[%swap3A_77, %swap3A_78], %mul3A_76 {strides = array<i32>} : memref<128x128xf32, #tpu.memory_space<vmem>>, vector<16xf32>,
          %get3A_80 = arith.index_cast %add3A_39 : i32 to index
          %get3A_81 = arith.constant 96 : index
          %get3A_82 = tpu.vector_load %arg11[%get3A_80, %get3A_81] {strides = array<i32>} : memref<128x128xf32, #tpu.memory_space<vmem>>, vector<16xf32>,
          %mul3A_83 = arith.mulf %get3A_82, %gather3A : vector<16xf32>
          %swap3A_84 = arith.index_cast %add3A_39 : i32 to index
          %swap3A_85 = arith.constant 96 : index
          %swap3A_86 = tpu.vector_load %arg11[%swap3A_84, %swap3A_85] {strides = array<i32>} : memref<128x128xf32, #tpu.memory_space<vmem>>, vector<16xf32>,
          tpu.vector_store %arg11[%swap3A_84, %swap3A_85], %mul3A_83 {strides = array<i32>} : memref<128x128xf32, #tpu.memory_space<vmem>>, vector<16xf32>,
          %get3A_87 = arith.index_cast %add3A_39 : i32 to index
          %get3A_88 = arith.constant 112 : index
          %get3A_89 = tpu.vector_load %arg11[%get3A_87, %get3A_88] {strides = array<i32>} : memref<128x128xf32, #tpu.memory_space<vmem>>, vector<16xf32>,
          %mul3A_90 = arith.mulf %get3A_89, %gather3A : vector<16xf32>
          %swap3A_91 = arith.index_cast %add3A_39 : i32 to index
          %swap3A_92 = arith.constant 112 : index
          %swap3A_93 = tpu.vector_load %arg11[%swap3A_91, %swap3A_92] {strides = array<i32>} : memref<128x128xf32, #tpu.memory_space<vmem>>, vector<16xf32>,
          tpu.vector_store %arg11[%swap3A_91, %swap3A_92], %mul3A_90 {strides = array<i32>} : memref<128x128xf32, #tpu.memory_space<vmem>>, vector<16xf32>,
        }
        %scan3A_34 = arith.constant 128 : i32
        "tpu.region"() ({
          %run_scoped3A = tpu.sem_alloc : memref<!tpu.dma_semaphore, #tpu.memory_space<semaphore_mem>>
          %dma_start3A_35 = arith.constant 0 : i32
          %dma_start3A_36 = arith.constant 0 : i32
          %dma_start3A_37 = tpu.memref_slice %arg12[%dma_start3A_35, %dma_start3A_36] : memref<10112x128xf32, #tpu.memory_space<vmem_shared>> -> memref<10112x128xf32, #tpu.memory_space<vmem_shared>>
          tpu.enqueue_indirect_dma source(%arg11 : memref<128x128xf32, #tpu.memory_space<vmem>>) target(%dma_start3A_37 : memref<10112x128xf32, #tpu.memory_space<vmem_shared>>) offsets(%arg9 : memref<128xi32, #tpu.memory_space<vmem>>) semaphore(%run_scoped3A : memref<!tpu.dma_semaphore, #tpu.memory_space<semaphore_mem>>) {add = true}
          %dma_wait3A_38 = arith.constant 0 : i32
          %dma_wait3A_39 = arith.constant 0 : i32
          %dma_wait3A_40 = tpu.memref_slice %arg12[%dma_wait3A_38, %dma_wait3A_39] : memref<10112x128xf32, #tpu.memory_space<vmem_shared>> -> memref<10112x128xf32, #tpu.memory_space<vmem_shared>>
          tpu.wait_indirect_dma semaphore(%run_scoped3A : memref<!tpu.dma_semaphore, #tpu.memory_space<semaphore_mem>>) src(%arg11 : memref<128x128xf32, #tpu.memory_space<vmem>>) dst(%dma_wait3A_40 : memref<10112x128xf32, #tpu.memory_space<vmem_shared>>)
          tpu.yield
        }) : () -> ()
      } else {
      }
    }
    %scan3A_8 = arith.constant 79 : i32
    %barrier3A_9 = arith.constant 0 : index
    tpu.barrier barrier_id(%barrier3A_9)
    %mul3A_10 = arith.constant 632 : i32
    %mul3A_11 = arith.muli %arg1, %mul3A_10 : i32
    %mul3A_12 = arith.constant 632 : i32
    %mul3A_13 = arith.muli %arg1, %mul3A_12 : i32
    "tpu.region"() ({
      %run_scoped3A = tpu.sem_alloc : memref<!tpu.dma_semaphore, #tpu.memory_space<semaphore_mem>>
      %dma_start3A = arith.constant 0 : i32
      %dma_start3A_14 = tpu.memref_slice %arg7[%arg0, %mul3A_13, %dma_start3A] : memref<2x10112x128xf32, #tpu.memory_space<hbm>> -> memref<1x632x128xf32, #tpu.memory_space<hbm>>
      %dma_start3A_15 = tpu.memref_squeeze %dma_start3A_14 : memref<1x632x128xf32, #tpu.memory_space<hbm>> -> memref<632x128xf32, #tpu.memory_space<hbm>>
      %dma_start3A_16 = arith.constant 0 : i32
      %dma_start3A_17 = tpu.memref_slice %arg12[%mul3A_11, %dma_start3A_16] : memref<10112x128xf32, #tpu.memory_space<vmem_shared>> -> memref<632x128xf32, #tpu.memory_space<vmem_shared>>
      tpu.enqueue_dma source(%dma_start3A_17 : memref<632x128xf32, #tpu.memory_space<vmem_shared>>) target(%dma_start3A_15 : memref<632x128xf32, #tpu.memory_space<hbm>>) target_semaphore(%run_scoped3A : memref<!tpu.dma_semaphore, #tpu.memory_space<semaphore_mem>>)
      %dma_wait3A = arith.constant 0 : i32
      %dma_wait3A_18 = tpu.memref_slice %arg7[%arg0, %mul3A_13, %dma_wait3A] : memref<2x10112x128xf32, #tpu.memory_space<hbm>> -> memref<1x632x128xf32, #tpu.memory_space<hbm>>
      %dma_wait3A_19 = tpu.memref_squeeze %dma_wait3A_18 : memref<1x632x128xf32, #tpu.memory_space<hbm>> -> memref<632x128xf32, #tpu.memory_space<hbm>>
      %dma_wait3A_20 = arith.constant 0 : i32
      %dma_wait3A_21 = tpu.memref_slice %arg12[%mul3A_11, %dma_wait3A_20] : memref<10112x128xf32, #tpu.memory_space<vmem_shared>> -> memref<632x128xf32, #tpu.memory_space<vmem_shared>>
      tpu.wait_dma2 semaphore(%run_scoped3A : memref<!tpu.dma_semaphore, #tpu.memory_space<semaphore_mem>>) src(%dma_wait3A_21 : memref<632x128xf32, #tpu.memory_space<vmem_shared>>) dst(%dma_wait3A_19 : memref<632x128xf32, #tpu.memory_space<hbm>>)
      tpu.yield
    }) : () -> ()
    return
  }
}

module attributes {stable_mosaic.version = 14 : i64} {
  func.func @_dense_body(%arg0: i32, %arg1: memref<1000x128xf32, #tpu.memory_space<vmem>>, %arg2: memref<1000x1xf32, #tpu.memory_space<vmem>>, %arg3: memref<1x1xf32, #tpu.memory_space<vmem>>, %arg4: memref<128x128xf32, #tpu.memory_space<vmem>>, %arg5: memref<1x128xf32, #tpu.memory_space<vmem>>, %arg6: memref<128x128xf32, #tpu.memory_space<vmem>>, %arg7: memref<1x128xf32, #tpu.memory_space<vmem>>, %arg8: memref<1000x128xf32, #tpu.memory_space<vmem>>) attributes {dimension_semantics = [#tpu.dimension_semantics<arbitrary>], iteration_bounds = array<i64: 10>, scalar_prefetch = 0 : i64, scratch_operands = 0 : i64, tpu.core_type = #tpu.core_type<tc>, window_params = [{transform_indices = @transform_0, window_bounds = array<i64: 1000, 128>}, {transform_indices = @transform_1, window_bounds = array<i64: 1000, 1>}, {pipeline_mode = #tpu.pipeline_mode<synchronous>, transform_indices = @transform_2, window_bounds = array<i64: 1, 1>}, {pipeline_mode = #tpu.pipeline_mode<synchronous>, transform_indices = @transform_3, window_bounds = array<i64: 128, 128>}, {pipeline_mode = #tpu.pipeline_mode<synchronous>, transform_indices = @transform_4, window_bounds = array<i64: 1, 128>}, {pipeline_mode = #tpu.pipeline_mode<synchronous>, transform_indices = @transform_5, window_bounds = array<i64: 128, 128>}, {pipeline_mode = #tpu.pipeline_mode<synchronous>, transform_indices = @transform_6, window_bounds = array<i64: 1, 128>}, {transform_indices = @transform_7, window_bounds = array<i64: 1000, 128>}]} {
    %get3A = arith.constant 0 : index
    %get3A_0 = arith.constant 0 : index
    %get3A_1 = vector.load %arg1[%get3A, %get3A_0] : memref<1000x128xf32, #tpu.memory_space<vmem>>, vector<1000x128xf32>
    %get3A_2 = arith.constant 0 : index
    %get3A_3 = arith.constant 0 : index
    %get3A_4 = vector.load %arg2[%get3A_2, %get3A_3] : memref<1000x1xf32, #tpu.memory_space<vmem>>, vector<1000x1xf32>
    %get3A_5 = arith.constant 0 : index
    %get3A_6 = arith.constant 0 : index
    %get3A_7 = vector.load %arg3[%get3A_5, %get3A_6] : memref<1x1xf32, #tpu.memory_space<vmem>>, vector<1x1xf32>
    %get3A_8 = vector.extract %get3A_7[0, 0] : f32 from vector<1x1xf32>
    %mul3A = vector.broadcast %get3A_8 : f32 to vector<1000x1xf32>
    %mul3A_9 = arith.mulf %get3A_4, %mul3A : vector<1000x1xf32>
    %add3A = vector.broadcast %mul3A_9 : vector<1000x1xf32> to vector<1000x128xf32>
    %add3A_10 = arith.addf %get3A_1, %add3A : vector<1000x128xf32>
    %get3A_11 = arith.constant 0 : index
    %get3A_12 = arith.constant 0 : index
    %get3A_13 = vector.load %arg4[%get3A_11, %get3A_12] : memref<128x128xf32, #tpu.memory_space<vmem>>, vector<128x128xf32>
    %dot_general3A = arith.constant dense<0.000000e+00> : vector<1000x128xf32>
    %dot_general3A_14 = tpu.matmul %add3A_10, %get3A_13, %dot_general3A {dimension_numbers = #tpu.dot_dimension_numbers<[1], [1], [0], [0], [0, 0, 1, 0], [], []>, precision = #tpu.contract_precision<fp32>, transpose_lhs_hint = false} : vector<1000x128xf32>, vector<128x128xf32>, vector<1000x128xf32> -> vector<1000x128xf32>
    %get3A_15 = arith.constant 0 : index
    %get3A_16 = arith.constant 0 : index
    %get3A_17 = vector.load %arg5[%get3A_15, %get3A_16] : memref<1x128xf32, #tpu.memory_space<vmem>>, vector<1x128xf32>
    %add3A_18 = vector.broadcast %get3A_17 : vector<1x128xf32> to vector<1000x128xf32>
    %add3A_19 = arith.addf %dot_general3A_14, %add3A_18 : vector<1000x128xf32>
    %ge3A = arith.constant 0.000000e+00 : f32
    %ge3A_20 = vector.broadcast %ge3A : f32 to vector<1000x128xf32>
    %ge3A_21 = arith.cmpf oge, %add3A_19, %ge3A_20 : vector<1000x128xf32>
    %mul3A_22 = arith.constant 2.000000e-01 : f32
    %mul3A_23 = vector.broadcast %mul3A_22 : f32 to vector<1000x128xf32>
    %mul3A_24 = arith.mulf %mul3A_23, %add3A_19 : vector<1000x128xf32>
    %select_n3A = arith.select %ge3A_21, %add3A_19, %mul3A_24 : vector<1000x128xi1>, vector<1000x128xf32>
    %get3A_25 = arith.constant 0 : index
    %get3A_26 = arith.constant 0 : index
    %get3A_27 = vector.load %arg6[%get3A_25, %get3A_26] : memref<128x128xf32, #tpu.memory_space<vmem>>, vector<128x128xf32>
    %dot_general3A_28 = arith.constant dense<0.000000e+00> : vector<1000x128xf32>
    %dot_general3A_29 = tpu.matmul %select_n3A, %get3A_27, %dot_general3A_28 {dimension_numbers = #tpu.dot_dimension_numbers<[1], [1], [0], [0], [0, 0, 1, 0], [], []>, precision = #tpu.contract_precision<fp32>, transpose_lhs_hint = false} : vector<1000x128xf32>, vector<128x128xf32>, vector<1000x128xf32> -> vector<1000x128xf32>
    %get3A_30 = arith.constant 0 : index
    %get3A_31 = arith.constant 0 : index
    %get3A_32 = vector.load %arg7[%get3A_30, %get3A_31] : memref<1x128xf32, #tpu.memory_space<vmem>>, vector<1x128xf32>
    %add3A_33 = vector.broadcast %get3A_32 : vector<1x128xf32> to vector<1000x128xf32>
    %add3A_34 = arith.addf %dot_general3A_29, %add3A_33 : vector<1000x128xf32>
    %swap3A = arith.constant 0 : index
    %swap3A_35 = arith.constant 0 : index
    %swap3A_36 = vector.load %arg8[%swap3A, %swap3A_35] : memref<1000x128xf32, #tpu.memory_space<vmem>>, vector<1000x128xf32>
    tpu.vector_store %arg8[%swap3A, %swap3A_35], %add3A_34 {strides = array<i32>} : memref<1000x128xf32, #tpu.memory_space<vmem>>, vector<1000x128xf32>,
    return
  }
  func.func @transform_0(%arg0: i32) -> (i32, i32) {
    %c0_i32 = arith.constant 0 : i32
    %c0_i32_0 = arith.constant 0 : i32
    return %arg0, %c0_i32 : i32, i32
  }
  func.func @transform_1(%arg0: i32) -> (i32, i32) {
    %c0_i32 = arith.constant 0 : i32
    %c0_i32_0 = arith.constant 0 : i32
    return %arg0, %c0_i32 : i32, i32
  }
  func.func @transform_2(%arg0: i32) -> (i32, i32) {
    %c0_i32 = arith.constant 0 : i32
    %c0_i32_0 = arith.constant 0 : i32
    %c0_i32_1 = arith.constant 0 : i32
    return %c0_i32, %c0_i32_0 : i32, i32
  }
  func.func @transform_3(%arg0: i32) -> (i32, i32) {
    %c0_i32 = arith.constant 0 : i32
    %c0_i32_0 = arith.constant 0 : i32
    %c0_i32_1 = arith.constant 0 : i32
    return %c0_i32, %c0_i32_0 : i32, i32
  }
  func.func @transform_4(%arg0: i32) -> (i32, i32) {
    %c0_i32 = arith.constant 0 : i32
    %c0_i32_0 = arith.constant 0 : i32
    %c0_i32_1 = arith.constant 0 : i32
    return %c0_i32, %c0_i32_0 : i32, i32
  }
  func.func @transform_5(%arg0: i32) -> (i32, i32) {
    %c0_i32 = arith.constant 0 : i32
    %c0_i32_0 = arith.constant 0 : i32
    %c0_i32_1 = arith.constant 0 : i32
    return %c0_i32, %c0_i32_0 : i32, i32
  }
  func.func @transform_6(%arg0: i32) -> (i32, i32) {
    %c0_i32 = arith.constant 0 : i32
    %c0_i32_0 = arith.constant 0 : i32
    %c0_i32_1 = arith.constant 0 : i32
    return %c0_i32, %c0_i32_0 : i32, i32
  }
  func.func @transform_7(%arg0: i32) -> (i32, i32) {
    %c0_i32 = arith.constant 0 : i32
    %c0_i32_0 = arith.constant 0 : i32
    return %arg0, %c0_i32 : i32, i32
  }
}

module attributes {stable_mosaic.version = 14 : i64} {
  func.func @_combine_body(%arg0: i32, %arg1: memref<1x1000x128xf32, #tpu.memory_space<vmem>>, %arg2: memref<1x1000x128xf32, #tpu.memory_space<vmem>>, %arg3: memref<1000x128xf32, #tpu.memory_space<vmem>>) attributes {dimension_semantics = [#tpu.dimension_semantics<arbitrary>], iteration_bounds = array<i64: 10>, scalar_prefetch = 0 : i64, scratch_operands = 0 : i64, tpu.core_type = #tpu.core_type<tc>, window_params = [{transform_indices = @transform_0, window_bounds = array<i64: 1, 1000, 128>}, {transform_indices = @transform_1, window_bounds = array<i64: 1, 1000, 128>}, {transform_indices = @transform_2, window_bounds = array<i64: 1000, 128>}]} {
    %get3A = arith.constant 0 : index
    %get3A_0 = arith.constant 0 : index
    %get3A_1 = arith.constant 0 : index
    %get3A_2 = vector.load %arg1[%get3A, %get3A_0, %get3A_1] : memref<1x1000x128xf32, #tpu.memory_space<vmem>>, vector<1x1000x128xf32>
    %get3A_3 = vector.shape_cast %get3A_2 : vector<1x1000x128xf32> to vector<1000x128xf32>
    %get3A_4 = arith.constant 0 : index
    %get3A_5 = arith.constant 0 : index
    %get3A_6 = arith.constant 0 : index
    %get3A_7 = vector.load %arg2[%get3A_4, %get3A_5, %get3A_6] : memref<1x1000x128xf32, #tpu.memory_space<vmem>>, vector<1x1000x128xf32>
    %get3A_8 = vector.shape_cast %get3A_7 : vector<1x1000x128xf32> to vector<1000x128xf32>
    %add3A = arith.addf %get3A_3, %get3A_8 : vector<1000x128xf32>
    %swap3A = arith.constant 0 : index
    %swap3A_9 = arith.constant 0 : index
    %swap3A_10 = vector.load %arg3[%swap3A, %swap3A_9] : memref<1000x128xf32, #tpu.memory_space<vmem>>, vector<1000x128xf32>
    tpu.vector_store %arg3[%swap3A, %swap3A_9], %add3A {strides = array<i32>} : memref<1000x128xf32, #tpu.memory_space<vmem>>, vector<1000x128xf32>,
    return
  }
  func.func @transform_0(%arg0: i32) -> (i32, i32, i32) {
    %c0_i32 = arith.constant 0 : i32
    %c0_i32_0 = arith.constant 0 : i32
    %c0_i32_1 = arith.constant 0 : i32
    return %c0_i32, %arg0, %c0_i32_0 : i32, i32, i32
  }
  func.func @transform_1(%arg0: i32) -> (i32, i32, i32) {
    %c1_i32 = arith.constant 1 : i32
    %c0_i32 = arith.constant 0 : i32
    %c0_i32_0 = arith.constant 0 : i32
    return %c1_i32, %arg0, %c0_i32 : i32, i32, i32
  }
  func.func @transform_2(%arg0: i32) -> (i32, i32) {
    %c0_i32 = arith.constant 0 : i32
    %c0_i32_0 = arith.constant 0 : i32
    return %arg0, %c0_i32 : i32, i32
  }
}

</mosaic_0001>

<sc_bundles>
// kernel: kernel.5.cloned.1.call-start
scs
__scs_entry_jumppad:
0x0: {  	(pc) =	sbr.rel $0x88, $3  }
0x1: {  	(tag) =	ssettag $0x0;
	lr =	simm.s32 $0x1  }
0x2: {  	[smem:$0x3F98] =	sst lr;
	_ =	strace $0xD0000000  }
0x3: {  	_ = 	snop  }
0x4: {  	_ = 	snop  }
0x5: {  	_ = 	snop  }
0x6: {  	_ = 	snop  }
0x7: {  	_ = 	snop  }
__scs_overlays_trampoline_lowered:
0x8: {  	[smem:$0x3FA7] =	sst s0  }
0x9: {  	[smem:$0x3FA8] =	sst s1  }
0xa: {  	[smem:$0x3FA9] =	sst s2  }
0xb: {  	[smem:$0x3FAA] =	sst s3  }
0xc: {  	[smem:$0x3FAB] =	sst s4  }
0xd: {  	[smem:$0x3FAC] =	sst s5  }
0xe: {  	[smem:$0x3FAD] =	sst s6  }
0xf: {  	[smem:$0x3FAE] =	sst s7  }
0x10: {  	[smem:$0x3FAF] =	sst s8  }
0x11: {  	[smem:$0x3FB0] =	sst s9;
	s0 =	simm.s32 @!p0 $0x0  }
0x12: {  	s1 =	sld [smem:$0x3F96];
	s0 =	simm.s32 @p0 $0x1  }
0x13: {  	[smem:$0x3FB1] =	sst s0;
	s0 =	simm.s32 @!p1 $0x0  }
0x14: {  	s2 =	sld [smem:$0x3F95];
	s0 =	simm.s32 @p1 $0x1  }
0x15: {  	[smem:$0x3FB2] =	sst s0;
	s0 =	simm.s32 @!p2 $0x0  }
0x16: {  	s3 =	sld [smem:$0x3FDB];
	s0 =	simm.s32 @p2 $0x1  }
0x17: {  	s4 =	simm.s32 $0x1BF5;
	[smem:$0x3FB4] =	sst s0  }
0x18: {  	s0 =	sld [smem:$0x3F97];
	_ =	swait.ge [sflag:s4], $0x0  }
0x19: {  	s7 =	sld [smem:$0x3F98]  }
0x1a: {  	s8 =	sadd.s32 $0xFFFFE003, lr  }
0x1b: {  	s9 =	sadd.s32 $0xFFFFFEF7, lr;
	s5 =	simm.s32 $0xFFFFFFFF;
	p2 =	slt.u32 s8, $0xFFFFF086  }
0x1c: {  	p1 =	slt.u32 s9, $0xF7A;
	s5 =	simm.s32 @!p2 $0x0  }
0x1d: {  	s5 =	simm.s32 @p1 $0x1;
	p0 =	seq.s32 s7, s2  }
0x1e: {  	s7 =	smul.u32 @!p0 $0xF7A, s2;
	p2 =	seq.s32 @!p0 s5, $0x0  }
0x1f: {  	s9 =	smul.u32 $0xF7A, s1;
	s8 =	simm.s32 @!p0 $0x1BF5;
	p2 =	por !p2, p0  }
0x20: {  	[sflag:s8] =	ssyncset.s32 @!p0 $0xFFFFF086;
	s6 =	sadd.s32 @!p0 s3, s7;
	s7 =	simm.s32 @!p0 $0x108  }
0x21: {  	s3 =	sadd.s32 s3, s9;
	s6 =	sadd.s32 @!p0 $0x88, s6;
	s7 =	simm.s32 @p2 $0x1082  }
0x22: {  	[simem:s7], [sflag:s8] =	dma.local @!p0 [hbm:s6], $0xF7A  }
0x23: {  	s9 =	sor.u32 $0xD0000000, s2;
	s6 =	simm.s32 $0x108;
	_ =	swait.ge @!p0 [sflag:s8], $0x0  }
0x24: {  	s3 =	sadd.s32 $0x88, s3;
	s6 =	simm.s32 @!p1 $0x1082;
	[sflag:s4] =	ssyncset.s32 $0xFFFFF086  }
0x25: {  	[simem:s6], [sflag:s4] =	dma.local [hbm:s3], $0xF7A  }
0x26: {  	[smem:$0x3F98] =	sst s1;
	(tag) =	ssettag s2;
	_ =	strace s9  }
0x27: {  	s1 =	sld [smem:$0x3FA8]  }
0x28: {  	s2 =	sld [smem:$0x3FA9]  }
0x29: {  	s4 =	sld [smem:$0x3FAB]  }
0x2a: {  	p0 =	seq.s32 s5, $0x0;
	s5 =	sld [smem:$0x3FAC]  }
0x2b: {  	s6 =	sld [smem:$0x3FAD]  }
0x2c: {  	s7 =	sld [smem:$0x3FAE]  }
0x2d: {  	s3 =	simm.s32 $0x108;
	s8 =	sld [smem:$0x3FAF]  }
0x2e: {  	s3 =	simm.s32 @!p0 $0x1082;
	s9 =	sld [smem:$0x3FB0]  }
0x2f: {  	lr =	sadd.s32 s0, s3;
	s0 =	sld [smem:$0x3FA7]  }
0x30: {  	s3 =	sld [smem:$0x3FAA]  }
0x31: {  	[smem:$0x3FB3] =	sst s10  }
0x32: {  	s10 =	sld [smem:$0x3FB1];
	_ =	sdelay $0x3  }
0x33: {  	p0 =	seq.s32 s10, $0x1;
	s10 =	sld [smem:$0x3FB3];
	_ =	sdelay $0x3  }
0x34: {  	[smem:$0x3FB3] =	sst s10  }
0x35: {  	s10 =	sld [smem:$0x3FB2];
	_ =	sdelay $0x3  }
0x36: {  	p1 =	seq.s32 s10, $0x1;
	s10 =	sld [smem:$0x3FB3];
	_ =	sdelay $0x3  }
0x37: {  	[smem:$0x3FB3] =	sst s10  }
0x38: {  	s10 =	sld [smem:$0x3FB4]  }
0x39: {  	_ = 	snop;
	(pc) =	sbr.ind lr, $3  }
0x3a: {  	_ = 	snop  }
0x3b: {  	_ = 	snop  }
0x3c: {  	p2 =	seq.s32 s10, $0x1;
	s10 =	sld [smem:$0x3FB3]  }
0x3d: {  	_ =	shalt  }
0x3e: {  	_ =	shalt  }
0x3f: {  	_ =	shalt  }
0x40: {  	_ =	shalt  }
0x41: {  	_ =	shalt  }
0x42: {  	_ =	shalt  }
0x43: {  	_ =	shalt  }
0x44: {  	_ =	shalt  }
0x45: {  	_ =	shalt  }
0x46: {  	_ =	shalt  }
0x47: {  	_ =	shalt  }
0x48: {  	_ =	shalt  }
0x49: {  	_ =	shalt  }
0x4a: {  	_ =	shalt  }
0x4b: {  	_ =	shalt  }
0x4c: {  	_ =	shalt  }
0x4d: {  	_ =	shalt  }
0x4e: {  	_ =	shalt  }
0x4f: {  	_ =	shalt  }
0x50: {  	_ =	shalt  }
0x51: {  	_ =	shalt  }
0x52: {  	_ =	shalt  }
0x53: {  	_ =	shalt  }
0x54: {  	_ =	shalt  }
0x55: {  	_ =	shalt  }
0x56: {  	_ =	shalt  }
0x57: {  	_ =	shalt  }
0x58: {  	_ =	shalt  }
0x59: {  	_ =	shalt  }
0x5a: {  	_ =	shalt  }
0x5b: {  	_ =	shalt  }
0x5c: {  	_ =	shalt  }
0x5d: {  	_ =	shalt  }
0x5e: {  	_ =	shalt  }
0x5f: {  	_ =	shalt  }
0x60: {  	_ =	shalt  }
0x61: {  	_ =	shalt  }
0x62: {  	_ =	shalt  }
0x63: {  	_ =	shalt  }
0x64: {  	_ =	shalt  }
0x65: {  	_ =	shalt  }
0x66: {  	_ =	shalt  }
0x67: {  	_ =	shalt  }
0x68: {  	_ =	shalt  }
0x69: {  	_ =	shalt  }
0x6a: {  	_ =	shalt  }
0x6b: {  	_ =	shalt  }
0x6c: {  	_ =	shalt  }
0x6d: {  	_ =	shalt  }
0x6e: {  	_ =	shalt  }
0x6f: {  	_ =	shalt  }
0x70: {  	_ =	shalt  }
0x71: {  	_ =	shalt  }
0x72: {  	_ =	shalt  }
0x73: {  	_ =	shalt  }
0x74: {  	_ =	shalt  }
0x75: {  	_ =	shalt  }
0x76: {  	_ =	shalt  }
0x77: {  	_ =	shalt  }
0x78: {  	_ =	shalt  }
0x79: {  	_ =	shalt  }
0x7a: {  	_ =	shalt  }
0x7b: {  	_ =	shalt  }
0x7c: {  	_ =	shalt  }
0x7d: {  	_ =	shalt  }
0x7e: {  	_ =	shalt  }
0x7f: {  	_ =	shalt  }
0x80: {  	_ =	shalt  }
0x81: {  	_ =	shalt  }
0x82: {  	_ =	shalt  }
0x83: {  	_ =	shalt  }
0x84: {  	_ =	shalt  }
0x85: {  	_ =	shalt  }
0x86: {  	_ =	shalt  }
0x87: {  	_ =	shalt  }
.Lfunc_end0:
.L_simem_size_0:
called_computation_lowered:
.L_overlay_start_0:
0x88: {  	s2 =	sld [smem:$0x3FD9]  }
0x89: {  	s3 =	sld [smem:$0x3FFE];
	_ =	sdelay $0x1  }
0x8a: {  	s1 =	srdreg.scid  }
0x8b: {  	s0 =	sand.u32 $0x1, s1  }
0x8c: {  	s17 =	sshll.u32 s0, $0xA;
	s2 =	sadd.s32 s3, s2  }
0x8d: {  	s2 =	sadd.s32 s2, s17  }
0x8e: {  	[smem:$0x3FBF] =	sst s2  }
0x8f: {  	_ = 	snop  }
0x90: {  	s2 =	sld [smem:$0x3FC7]  }
0x91: {  	s18 =	sld [smem:$0x3FD0];
	(tm) =	ssettm $0x1  }
0x92: {  	s4 =	sld [smem:$0x3FFB];
	_ =	sdelay $0x3  }
0x93: {  	_ =	strace s4  }
0x94: {  	s4 =	sld [smem:$0x3FFC];
	_ =	sdelay $0x3  }
0x95: {  	_ =	strace s4  }
0x96: {  	s4 =	sld [smem:$0x3FFD];
	_ =	sdelay $0x3  }
0x97: {  	_ =	strace s4  }
0x98: {  	_ =	strace $0x8FFFFFFF  }
0x99: {  	s19 =	sld [smem:$0x3FDB];
	_ =	sdelay $0x1  }
0x9a: {  	s5 =	simm.s32 $_scs_section_size  }
0x9b: {  	s6 =	simm.s32 $_size__tile_overlayer_lowered;
	s7 =	simm.s32 $_tile_overlayer_lowered  }
0x9c: {  	s22 =	simm.s32 $0x1BFF;
	s21 =	sshll.u32 s7, $0x1;
	s4 =	sadd.s32 s5, s19  }
0x9d: {  	s8 =	simm.s32 $0x0;
	s20 =	sshll.u32 s6, $0x1;
	s6 =	sadd.s32 s21, s4  }
0x9e: {  	[timem:s8], [sflag:s22] =	dma.local [hbm:s6], s20  }
0x9f: {  	_ =	swait.ge [sflag:s22], s20  }
0xa0: {  	s5 =	ssub.s32 $0x0, s20;
	[sflag:s22] =	ssyncset.done $0x0  }
0xa1: {  	[sflag:s22] =	ssyncadd.s32 s5;
	_ =	sdelay $0x1  }
0xa2: {  	s23 =	simm.s32 $0x1B8B  }
0xa3: {  	_ =	swait.ge [sflag:s23], $0x1  }
0xa4: {  	[sflag:s23] =	ssyncset.done $0x0  }
0xa5: {  	s25 =	simm.s32 $0x1B8E;
	s24 =	sld [smem:$0x3FFE];
	[sflag:s23] =	ssyncadd.s32 $0xFFFFFFFF  }
0xa6: {  	s26 =	simm.s32 $execute0_lowered;
	[smem:$0x3FD2] =	sst s25  }
0xa7: {  	s6 =	sshll.u32 s26, $0x1;
	_ =	strace $0x80000046;
	[dreg:$0x1] =	wrdreg $0xFFFFFFFF  }
0xa8: {  	s28 =	simm.s32 $_size_execute0_lowered;
	s4 =	sadd.s32 s4, s6;
	[dreg:$0x0] =	wrdreg $0x0  }
0xa9: {  	s6 =	sshll.u32 s28, $0x1;
	[dreg:$0x2] =	wrdreg s4  }
0xaa: {  	[dreg:$0x3] =	wrdreg s6  }
0xab: {  	[dreg:$0x4] =	wrdreg $0xC0  }
0xac: {  	_ =	task [dreg:s8], $0x5FFFF  }
0xad: {  	[dreg:$0x1] =	wrdreg $0xFFFFFFFF  }
0xae: {  	[dreg:$0x0] =	wrdreg $0x60  }
0xaf: {  	[dreg:$0x2] =	wrdreg s18  }
0xb0: {  	[dreg:$0x3] =	wrdreg s24  }
0xb1: {  	[dreg:$0x4] =	wrdreg s2  }
0xb2: {  	[dreg:$0x5] =	wrdreg $0x41800  }
0xb3: {  	[dreg:$0x6] =	wrdreg $0x9  }
0xb4: {  	_ =	task.clear_ibuf [dreg:s8], $0x7FFFF;
	_ =	strace $0x90000046  }
0xb5: {  	s29 =	simm.s32 $0x9;
	_ =	strace $0x80000048  }
0xb6: {  	_ =	swait.ge [sflag:s29], $0x1  }
0xb7: {  	[sflag:s29] =	ssyncadd.s32 $0xFFFFFFFF  }
0xb8: {  	_ =	strace $0x90000048  }
0xb9: {  	_ =	sfence  }
0xba: {  	s30 =	sld [smem:$0x0];
	_ =	sdelay $0x2  }
0xbb: {  	s31 =	sshll.u32 s1, $0xD;
	s1 =	sshrl.u32 s1, $0x2  }
0xbc: {  	s3 =	sand.u32 $0x4000, s31;
	s1 =	sadd.s32 s1, s30  }
0xbd: {  	s0 =	sor.u32 s3, s0;
	s1 =	sshll.u32 s1, $0x11  }
0xbe: {  	s0 =	sor.u32 s1, s0  }
0xbf: {  	s0 =	sadd.s32 $0x8F2B, s0  }
0xc0: {  	[sflag:s0] =	ssyncadd.remote.s32 $0x1  }
0xc1: {  	_ =	sfence.sel $0xFFFF  }
0xc2: {  	[dreg:$0x0] =	wrdreg $0xFFFFFFFF;
	(pc) =	sbr.abs _section_cstart, $3  }
0xc3: {  	[dreg:$0x1] =	wrdreg $0xFFFFFFFF  }
0xc4: {  	_ =	task.clear_ibuf [dreg:s8], $0x2FFFF;
	_ =	strace $0x9FFFFFFF  }
0xc5: {  	(tm) =	ssettm $0x7FFFFFFF  }
tec
execute0_lowered:
.L_overlay_start_1:
0x0: {  	(tag) =	ssettag $0x1  }
0x1: {  	s1 =	rddreg [dreg:$0x0]  }
0x2: {  	s9 =	rddreg [dreg:$0x1]  }
0x3: {  	s3 =	rddreg [dreg:$0x2]  }
0x4: {  	s4 =	rddreg [dreg:$0x3]  }
0x5: {  	s0 =	rddreg [dreg:$0x4]  }
0x6: {  	s2 =	stileid.u32;
	s6 =	srdreg.scid  }
0x7: {  	s5 =	simm.s32 $0x0;
	s16 =	simm.s32 $0x3;
	s17 =	simm.s32 $0x80  }
0x8: {  	s18 =	simm.s32 $0x100;
	s19 =	simm.s32 $0x180;
	s20 =	simm.s32 $0x1  }
0x9: {  	s10 =	smul.u32 $0x13C00, s2;
	s6 =	sand.u32 $0x1, s6;
	[smem:$0x7FF] =	sst s5  }
0xa: {  	s7 =	sadd.s32 $0xAA00, s9;
	s8 =	sadd.s32 $0xC00, s9;
	s14 =	smul.u32 $0x4F000, s2  }
0xb: {  	s31 =	sshll.u32 s2, $0x6;
	s11 =	smul.u32 $0x13C000, s6;
	s29 =	ssub.s32 $0x2, s6  }
0xc: {  	_ =	strace $0x80000047;
	s12 =	sshrl.u32 s10, $0x3;
	s13 =	sshrl.u32 s29, $0x1  }
.Ltmp0:
0xd: {  	s30 =	sshrl.u32 s14, $0x2;
	s10 =	sadd.s32 s10, s11;
	(pc) =	sbr.rel .LBB2_1-.Ltmp0, $4  }
0xe: {  	s12 =	sadd.s32 s12, s9;
	s13 =	ssub.s32 s29, s13;
	s14 =	sadd.s32 s30, s4  }
0xf: {  	s11 =	sor.u32 $0x1C02, s31;
	s10 =	sshrl.u32 s10, $0x3;
	s13 =	smax.u32 s13, $0x1  }
0x10: {  	s14 =	sshrl.u32 s14, $0x3;
	s15 =	sadd.s32 s10, s9;
	s9 =	sshll.u32 s2, $0x1  }
0x11: {  	s10 =	sadd.s32 $0x14800, s12;
	s12 =	sadd.s32 $0x3C000, s15;
	s15 =	simm.s32 $0x2  }
.LBB2_7:
0x12: {  	s5 =	sadd.s32 $0x1, s5  }
0x13: {  	p0 =	sne.s32 s5, s13  }
.Ltmp1:
0x14: {  	[bflag:$0x0] =	sbarrier.arrive $0xFFFF;
	(pc) =	sbr.rel @!p0 .LBB2_8-.Ltmp1, $4  }
0x15: {  	[hbm:s12], [sflag:s11] =	dma.local [spmem:s14], $0x2780  }
0x16: {  	_ =	swait.ge [sflag:s15], $0x2780  }
0x17: {  	[sflag:s15] =	ssyncset.done $0x0  }
0x18: {  	[sflag:s15] =	ssyncadd.s32 $0xFFFFD880  }
.LBB2_1:
0x19: {  	[spmem:s14], [sflag:s11] =	dma.local [hbm:s10], $0x2780  }
.Ltmp2:
0x1a: {  	_ =	swait.ge [sflag:s15], $0x2780;
	(pc) =	sbr.rel .LBB2_2-.Ltmp2, $4  }
0x1b: {  	[sflag:s15] =	ssyncset.done $0x0  }
0x1c: {  	[sflag:s15] =	ssyncadd.s32 $0xFFFFD880  }
0x1d: {  	[bflag:$0x0] =	sbarrier.arrive $0xFFFF  }
0x1e: {  	s21 =	simm.s32 $0x0  }
.LBB2_6:
0x1f: {  	s21 =	sadd.s32 $0x1, s21  }
0x20: {  	p0 =	sne.s32 s21, $0x4F  }
.Ltmp3:
0x21: {  	_ = 	snop;
	(pc) =	sbr.rel @!p0 .LBB2_7-.Ltmp3, $1  }
0x22: {  	_ =	sdelay $0x3  }
.LBB2_2:
0x23: {  	s22 =	sshll.u32 s21, $0x5  }
0x24: {  	s22 =	sor.u32 s9, s22  }
0x25: {  	p0 =	sgt.u32 s22, $0x9C3  }
.Ltmp4:
0x26: {  	_ = 	snop;
	(pc) =	sbr.rel @p0 .LBB2_6-.Ltmp4, $1  }
0x27: {  	_ =	sdelay $0x3  }
0x28: {  	s22 =	sor.u32 s6, s22  }
0x29: {  	s22 =	sshll.u32 s22, $0x4  }
0x2a: {  	s24 =	simm.s32 $0x0;
	s23 =	sadd.s32 s7, s22  }
0x2b: {  	[tilespmem:s24], [sflag:$0x3] =	stream.linear.gather [hbm4b:s23+s24], $0x80, $0x38;
	[tilespmem:$0x17D80] =	vst v63  }
0x2c: {  	_ =	swait.ge [sflag:s16], $0x80  }
0x2d: {  	[sflag:s16] =	ssyncset.done $0x0  }
0x2e: {  	s31 =	sadd.s32 s8, s22;
	[sflag:s16] =	ssyncadd.s32 $0xFFFFFF80  }
0x2f: {  	[tilespmem:s17], [sflag:$0x3] =	stream.linear.gather [hbm4b:s31+s24], $0x80, $0x38;
	[tilespmem:$0x17D80] =	vst v63  }
0x30: {  	_ =	swait.ge [sflag:s16], $0x80  }
0x31: {  	[sflag:s16] =	ssyncset.done $0x0  }
0x32: {  	s22 =	sadd.s32 s3, s22;
	[sflag:s16] =	ssyncadd.s32 $0xFFFFFF80  }
0x33: {  	[tilespmem:s18], [sflag:$0x3] =	stream.linear.gather [hbm4b:s22+s24], $0x80, $0x38;
	[tilespmem:$0x17D80] =	vst v63  }
0x34: {  	_ =	swait.ge [sflag:s16], $0x80  }
0x35: {  	[sflag:s16] =	ssyncset.done $0x0  }
0x36: {  	[sflag:s16] =	ssyncadd.s32 $0xFFFFFF80  }
0x37: {  	[tilespmem:s19], [sflag:$0x1] =	stream.indirect.gather [hbm4b:s1+s17], $0x80, s24, s17, $0xb8;
	[tilespmem:$0x17D80] =	vst v63  }
0x38: {  	_ =	swait.ge [sflag:s20], $0x4000  }
0x39: {  	v0 =	vmov s24;
	[sflag:s20] =	ssyncset.done $0x0  }
0x3a: {  	s22 =	simm.s32 $0x1C0;
	[sflag:s20] =	ssyncadd.s32 $0xFFFFC000  }
0x3b: {  	v4 =	vld [tilespmem:s22+$0x30]  }
0x3c: {  	v7 =	vld [tilespmem:s22+$0x10]  }
0x3d: {  	v5 =	vld [tilespmem:s22+$0xFFFFFFC0]  }
0x3e: {  	v1 =	vld.idx.msk [tilespmem:v0+s18+$0x0], $0xffff  }
0x3f: {  	v9 =	vld [tilespmem:s22+$0xFFFFFFE0]  }
0x40: {  	v0 =	vld [tilespmem:s22+$0xFFFFFFF0]  }
0x41: {  	v2 =	vld [tilespmem:s22+$0x20]  }
0x42: {  	v3 =	vld [tilespmem:s22+$0xFFFFFFD0]  }
0x43: {  	v8 =	vmul.f32 v4, v1;
	v4 =	vld [tilespmem:s22+$0x0]  }
0x44: {  	v6 =	vmul.f32 v5, v1  }
0x45: {  	s23 =	simm.s32 $0x1;
	s24 =	simm.s32 $0x1C0;
	v5 =	vmul.f32 v9, v1;
	v7 =	vmul.f32 v7, v1  }
.LBB2_4:
0x46: {  	p0 =	sne.s32 s23, $0x7F  }
0x47: {  	v3 =	vmul.f32 v3, v1;
	v2 =	vmul.f32 v2, v1;
	[tilespmem:s22+$0x30] =	vst v8;
	s24 =	sadd.s32 $0x80, s24;
	s25 =	smov.u32 s23;
	s23 =	sadd.s32 $0x1, s23  }
0x48: {  	[tilespmem:s22+$0xFFFFFFC0] =	vst v6;
	v6 =	vmul.f32 v0, v1;
	v1 =	vmul.f32 v4, v1  }
0x49: {  	[tilespmem:s22+$0x10] =	vst v7  }
0x4a: {  	v4 =	vmov s25;
	[tilespmem:s22+$0xFFFFFFE0] =	vst v5  }
0x4b: {  	v0 =	vld [tilespmem:s24+$0xFFFFFFF0];
	[tilespmem:s22+$0xFFFFFFF0] =	vst v6  }
0x4c: {  	v5 =	vld [tilespmem:s24+$0x30];
	[tilespmem:s22+$0x0] =	vst v1  }
0x4d: {  	v7 =	vld [tilespmem:s24+$0x10];
	[tilespmem:s22+$0x20] =	vst v2  }
0x4e: {  	v6 =	vld [tilespmem:s24+$0xFFFFFFC0];
	[tilespmem:s22+$0xFFFFFFD0] =	vst v3;
	s22 =	smov.u32 s24  }
0x4f: {  	v1 =	vld.idx.msk [tilespmem:v4+s18+$0x0], $0xffff  }
0x50: {  	v9 =	vld [tilespmem:s24+$0xFFFFFFE0]  }
0x51: {  	v2 =	vld [tilespmem:s24+$0x20]  }
.Ltmp5:
0x52: {  	v3 =	vld [tilespmem:s24+$0xFFFFFFD0];
	(pc) =	sbr.rel @p0 .LBB2_4-.Ltmp5, $3  }
0x53: {  	v4 =	vld [tilespmem:s24+$0x0];
	_ =	sdelay $0x1  }
0x54: {  	v6 =	vmul.f32 v6, v1;
	v8 =	vmul.f32 v5, v1  }
0x55: {  	v7 =	vmul.f32 v7, v1;
	v5 =	vmul.f32 v9, v1  }
0x56: {  	[tilespmem:s22+$0x30] =	vst v8  }
0x57: {  	[tilespmem:s22+$0xFFFFFFC0] =	vst v6  }
0x58: {  	v0 =	vmul.f32 v0, v1;
	[tilespmem:s22+$0x10] =	vst v7  }
0x59: {  	v2 =	vmul.f32 v2, v1;
	[tilespmem:s22+$0xFFFFFFE0] =	vst v5  }
0x5a: {  	v63 =	vmul.f32 v3, v1;
	[tilespmem:s22+$0xFFFFFFF0] =	vst v0  }
0x5b: {  	v4 =	vmul.f32 v4, v1;
	[tilespmem:s22+$0x20] =	vst v2  }
0x5c: {  	[tilespmem:s22+$0xFFFFFFD0] =	vst v63  }
.Ltmp6:
0x5d: {  	[tilespmem:s22+$0x0] =	vst v4;
	(pc) =	sbr.rel .LBB2_6-.Ltmp6, $4  }
0x5e: {  	[spmem:s4] =	stream.indirect.scatter.add.f32 [tilespmem:s19], [sflag:$0x2], $0x80, s17, s17, $0xb8;
	[tilespmem:$0x17D80] =	vst v63  }
0x5f: {  	_ =	swait.ge [sflag:s15], $0x4000  }
0x60: {  	[sflag:s15] =	ssyncset.done $0x0  }
0x61: {  	[sflag:s15] =	ssyncadd.s32 $0xFFFFC000  }
.LBB2_8:
0x62: {  	_ =	sfence.sel $0x180000  }
0x63: {  	[bflag:$0x0] =	sbarrier.arrive $0xFFFF  }
0x64: {  	p0 =	sne.s32 s2, $0x0;
	_ =	strace $0x90000047  }
0x65: {  	s0 =	sadd.s32 @!p0 $0x100000, s0;
	[bflag:$0x2] =	sbarrier.arrive $0xFFFF  }
0x66: {  	[sflag:s0] =	ssyncadd.tile.s32 @!p0 $0x1;
	_ =	shalt  }
.Lfunc_end2:
_tile_overlayer_lowered:
.L_overlay_start_2:
0x67: {  	(tag) =	ssettag $0x2  }
0x68: {  	s0 =	rddreg [dreg:$0x0];
	s2 =	stileid.u32  }
0x69: {  	s1 =	rddreg [dreg:$0x1];
	p0 =	sne.s32 s2, $0x0  }
0x6a: {  	s3 =	rddreg [dreg:$0x2];
	[bflag:$0x3] =	sbarrier.arrive $0xFFFF;
	s2 =	simm.s32 @!p0 $0x1C02  }
0x6b: {  	[timem:s3], [sflag:s2] =	dma.local @!p0 [hbm:s0], s1  }
0x6c: {  	s0 =	simm.s32 @!p0 $0x2  }
0x6d: {  	_ =	swait.ge @!p0 [sflag:s0], s1  }
0x6e: {  	s1 =	ssub.s32 @!p0 $0x0, s1;
	[sflag:s0] =	ssyncset.done @!p0 $0x0  }
0x6f: {  	[sflag:s0] =	ssyncadd.s32 @!p0 s1  }
0x70: {  	[bflag:$0x3] =	sbarrier.arrive $0xFFFF  }
0x71: {  	_ =	shalt  }

</sc_bundles>
